<compile_context>
chip_gen: v7x
topology: tpu7x:2x2x1
jax: 0.10.2.dev20260603
libtpu: 0.0.44.dev20260713+nightly
codegen_flags: <defaults>
</compile_context>

<pallas_src>
import functools

import jax
import jax.numpy as jnp
from jax import lax
from jax.experimental import pallas as pl
from jax.experimental.pallas import tpu as pltpu
from jax.experimental.pallas import tpu_sc as plsc

KNN = 32
NQ = 512
QB = 128
EPS = 1e-5



def _knn_body(xyzt_ref, xyzq_ref, ptsq_ref, w0t_ref, b0_ref, idx_ref, v_ref, r_ref):
    b = pl.program_id(0)
    N = xyzt_ref.shape[2]
    xt = xyzt_ref[0]
    q = xyzq_ref[0]
    X0, X1, X2 = xt[0:1, :], xt[1:2, :], xt[2:3, :]
    x0, x1, x2 = q[:, 0:1], q[:, 1:2], q[:, 2:3]
    sqm = X0 * X0 + X1 * X1 + X2 * X2
    sqn = x0 * x0 + x1 * x1 + x2 * x2
    dot = lax.dot_general(q, xt, (((1,), (0,)), ((), ())),
                          preferred_element_type=jnp.float32)
    S = (sqn + sqm) - 2.0 * dot

    col = lax.broadcasted_iota(jnp.int32, (NQ, N), 1)
    kcol = lax.broadcasted_iota(jnp.int32, (NQ, KNN), 1)
    BIG = jnp.float32(jnp.finfo(jnp.float32).max)

    def body(i, carry):
        s, ids = carry
        am1 = jnp.argmin(s, axis=1).astype(jnp.int32)[:, None]
        ids = jnp.where(kcol == 2 * i, am1, ids)
        m1 = col == am1
        am2 = jnp.argmin(jnp.where(m1, BIG, s), axis=1).astype(jnp.int32)[:, None]
        ids = jnp.where(kcol == 2 * i + 1, am2, ids)
        s = jnp.where(m1 | (col == am2), BIG, s)
        return s, ids

    ids0 = jnp.full((NQ, KNN), 0, jnp.int32)
    _, ids = lax.fori_loop(0, KNN // 2, body, (S, ids0))
    idx_ref[0] = ids + b * N

    w0t = w0t_ref[...]
    r = (x0 * w0t[0:1, :] + x1 * w0t[1:2, :] + x2 * w0t[2:3, :])
    pts = ptsq_ref[0]
    v = jnp.dot(pts, w0t[3:67, :], preferred_element_type=jnp.float32,
                precision=lax.Precision.HIGHEST)
    v_ref[0] = v + r + b0_ref[...]
    r_ref[0] = r


def _knn_call(xyzt, xyz, points, W0T, b0r):
    B, N, _ = xyz.shape
    grid = (B, N // NQ)
    return pl.pallas_call(
        _knn_body,
        grid=grid,
        in_specs=[
            pl.BlockSpec((1, 3, N), lambda b, q: (b, 0, 0)),
            pl.BlockSpec((1, NQ, 3), lambda b, q: (b, q, 0)),
            pl.BlockSpec((1, NQ, 64), lambda b, q: (b, q, 0)),
            pl.BlockSpec((67, 64), lambda b, q: (0, 0)),
            pl.BlockSpec((1, 64), lambda b, q: (0, 0)),
        ],
        out_specs=[
            pl.BlockSpec((1, NQ, KNN), lambda b, q: (b, q, 0)),
            pl.BlockSpec((1, NQ, 64), lambda b, q: (b, q, 0)),
            pl.BlockSpec((1, NQ, 64), lambda b, q: (b, q, 0)),
        ],
        out_shape=[
            jax.ShapeDtypeStruct((B, N, KNN), jnp.int32),
            jax.ShapeDtypeStruct((B, N, 64), jnp.float32),
            jax.ShapeDtypeStruct((B, N, 64), jnp.float32),
        ],
    )(xyzt, xyz, points, W0T, b0r)



def _sc_gather(table, idx3):
    NW = 32
    NCHUNK = idx3.shape[1]
    mesh = plsc.VectorSubcoreMesh(core_axis_name="c", subcore_axis_name="s")

    @functools.partial(
        pl.kernel,
        mesh=mesh,
        compiler_params=pltpu.CompilerParams(use_tc_tiling_on_sc=False),
        out_type=jax.ShapeDtypeStruct((NW * NCHUNK, 128, 64), jnp.float32),
        scratch_types=[
            pltpu.VMEM((NCHUNK, 128), jnp.int32),
            pltpu.VMEM((128, 64), jnp.float32),
            pltpu.SemaphoreType.DMA,
        ],
    )
    def k(table_hbm, idx_hbm, out_hbm, idx_v, rows_v, sem):
        w = lax.axis_index("s") * 2 + lax.axis_index("c")
        pltpu.sync_copy(idx_hbm.at[w], idx_v)

        def body(j, carry):
            pltpu.async_copy(table_hbm.at[idx_v.at[j]], rows_v, sem).wait()
            pltpu.sync_copy(rows_v, out_hbm.at[w * NCHUNK + j])
            return carry

        lax.fori_loop(0, NCHUNK, body, 0)

    return k(table, idx3)



def _stats_body(raw_ref, r_ref, out_ref):
    g = pl.program_id(0)
    raw = raw_ref[...]
    r = r_ref[...]
    x1 = raw - jnp.repeat(r, KNN, axis=0)
    s = jnp.sum(x1, axis=0, keepdims=True)
    s2 = jnp.sum(x1 * x1, axis=0, keepdims=True)

    @pl.when(g == 0)
    def _():
        out_ref[...] = jnp.zeros_like(out_ref)

    out_ref[0:1, :] += s
    out_ref[1:2, :] += s2


def _stats_call(raw, R):
    BN = R.shape[0]
    grid = (BN // QB,)
    return pl.pallas_call(
        _stats_body,
        grid=grid,
        in_specs=[
            pl.BlockSpec((QB * KNN, 64), lambda g: (g, 0)),
            pl.BlockSpec((QB, 64), lambda g: (g, 0)),
        ],
        out_specs=pl.BlockSpec((8, 64), lambda g: (0, 0)),
        out_shape=jax.ShapeDtypeStruct((8, 64), jnp.float32),
    )(raw, R)


def _layer_body(raw_ref, r_ref, sc_ref, sh_ref, wt_ref, x2_ref, st_ref):
    g = pl.program_id(0)
    raw = raw_ref[...]
    r = r_ref[...]
    if r.shape[0] == QB:
        x = raw - jnp.repeat(r, KNN, axis=0)
    else:
        x = raw
    h = jnp.maximum(x * sc_ref[...] + sh_ref[...], 0.0)
    x2 = jnp.dot(h, wt_ref[...], preferred_element_type=jnp.float32,
                 precision=lax.Precision.HIGHEST)
    x2_ref[...] = x2
    s = jnp.sum(x2, axis=0, keepdims=True)
    s2 = jnp.sum(x2 * x2, axis=0, keepdims=True)

    @pl.when(g == 0)
    def _():
        st_ref[...] = jnp.zeros_like(st_ref)

    st_ref[0:1, :] += s
    st_ref[1:2, :] += s2


def _layer_call(raw, R, scale, shift, WT):
    M, Cin = raw.shape
    Cout = WT.shape[1]
    grid = (M // (QB * KNN),)
    use_r = R is not None
    rr = R if use_r else jnp.zeros((1, 1), jnp.float32)
    rspec = (pl.BlockSpec((QB, Cin), lambda g: (g, 0)) if use_r
             else pl.BlockSpec((1, 1), lambda g: (0, 0)))
    return pl.pallas_call(
        _layer_body,
        grid=grid,
        in_specs=[
            pl.BlockSpec((QB * KNN, Cin), lambda g: (g, 0)),
            rspec,
            pl.BlockSpec((1, Cin), lambda g: (0, 0)),
            pl.BlockSpec((1, Cin), lambda g: (0, 0)),
            pl.BlockSpec((Cin, Cout), lambda g: (0, 0)),
        ],
        out_specs=[
            pl.BlockSpec((QB * KNN, Cout), lambda g: (g, 0)),
            pl.BlockSpec((8, Cout), lambda g: (0, 0)),
        ],
        out_shape=[
            jax.ShapeDtypeStruct((M, Cout), jnp.float32),
            jax.ShapeDtypeStruct((8, Cout), jnp.float32),
        ],
    )(raw, rr, scale, shift, WT)


def _final_body(x3_ref, sc_ref, sh_ref, out_ref):
    x3 = x3_ref[...]
    y = jnp.maximum(x3 * sc_ref[...] + sh_ref[...], 0.0)
    y = y.reshape(QB, KNN, 128)
    out_ref[...] = jnp.max(y, axis=1)


def _final_call(x3, scale, shift):
    M = x3.shape[0]
    BN = M // KNN
    grid = (BN // QB,)
    return pl.pallas_call(
        _final_body,
        grid=grid,
        in_specs=[
            pl.BlockSpec((QB * KNN, 128), lambda g: (g, 0)),
            pl.BlockSpec((1, 128), lambda g: (0, 0)),
            pl.BlockSpec((1, 128), lambda g: (0, 0)),
        ],
        out_specs=pl.BlockSpec((QB, 128), lambda g: (g, 0)),
        out_shape=jax.ShapeDtypeStruct((BN, 128), jnp.float32),
    )(x3, scale, shift)


def _finalize(stats, cnt, gm, bt):
    s = stats[0, :gm.shape[0]]
    s2 = stats[1, :gm.shape[0]]
    mu = s / cnt
    var = s2 / cnt - mu * mu
    scale = gm / jnp.sqrt(var + EPS)
    shift = bt - mu * scale
    return scale[None, :], shift[None, :]



def kernel(xyz, points, W0, b0, g0, beta0, W1, b1, g1, beta1, W2, b2, g2, beta2):
    B, N, _ = xyz.shape
    BN = B * N
    cnt = jnp.float32(BN * KNN)

    xyzt = jnp.swapaxes(xyz, 1, 2)
    W0T = jnp.swapaxes(W0, 0, 1)
    idx, V, R = _knn_call(xyzt, xyz, points, W0T, b0[None, :])

    idx_flat = idx.reshape(-1)
    NW = 32
    NCHUNK = (BN * KNN) // (NW * 128)
    idx3 = idx_flat.reshape(NW, NCHUNK, 128)
    raw = _sc_gather(V.reshape(BN, 64), idx3).reshape(BN * KNN, 64)

    Rf = R.reshape(BN, 64)
    st1 = _stats_call(raw, Rf)
    sc1, sh1 = _finalize(st1, cnt, g0, beta0)

    W1T = jnp.swapaxes(W1, 0, 1)
    x2, st2 = _layer_call(raw, Rf, sc1, sh1, W1T)
    sc2, sh2 = _finalize(st2, cnt, g1, beta1)

    W2T = jnp.swapaxes(W2, 0, 1)
    x3, st3 = _layer_call(x2, None, sc2, sh2, W2T)
    sc3, sh3 = _finalize(st3, cnt, g2, beta2)

    out = _final_call(x3, sc3, sh3)
    return out.reshape(B, N, 128)

# --- scband reference (transcript-rebuilt; emitter-appended) ---
"""Pipeline reference for scband-point-net-local-aggregation-59596966199813 (READ-ONLY COPY).

The authoritative reference and input builder live on the scoring server;
editing this copy changes nothing except your own understanding.
"""

import jax, jax.numpy as jnp
import numpy as np

K = 32


def setup_inputs(seed: int = 0) -> dict:
    key = jax.random.key(seed)
    ks = jax.random.split(key, 8)
    B, N, Cin = 4, 4096, 64
    xyz = jax.random.normal(ks[0], (B, N, 3), dtype=jnp.float32)
    points = jax.random.normal(ks[1], (B, N, Cin), dtype=jnp.float32)
    chans = [3 + Cin, 64, 64, 128]
    inp = {"xyz": xyz, "points": points}
    for i in range(3):
        ci, co = chans[i], chans[i + 1]
        inp[f"W{i}"] = jax.random.normal(ks[2 + i], (co, ci), dtype=jnp.float32) * 0.05
        inp[f"b{i}"] = jnp.zeros((co,), jnp.float32)
        inp[f"g{i}"] = jnp.ones((co,), jnp.float32)
        inp[f"beta{i}"] = jnp.zeros((co,), jnp.float32)
    return inp


def _forward(xyz, points, params):
    # kNN via squared distances (monotonic in cdist, same topk indices)
    sq = jnp.sum(xyz * xyz, axis=-1)
    d2 = sq[:, :, None] + sq[:, None, :] - 2.0 * jnp.einsum('bnd,bmd->bnm', xyz, xyz)
    # indices are non-differentiable (same as torch.topk indices)
    _, idx = jax.lax.top_k(-jax.lax.stop_gradient(d2), K)  # (B, N, K)
    gather = jax.vmap(lambda p, i: p[i])
    grouped_xyz = gather(xyz, idx) - xyz[:, :, None, :]          # (B, N, K, 3)
    grouped_points = gather(points, idx)                          # (B, N, K, Cin)
    g = jnp.concatenate([grouped_xyz, grouped_points], axis=-1)  # (B, N, K, C)
    x = jnp.transpose(g, (0, 3, 1, 2))                            # (B, C, N, K)
    for (W, b, gm, bt) in params:
        x = jnp.einsum('oc,bcnk->bonk', W, x) + b[None, :, None, None]
        mu = jnp.mean(x, axis=(0, 2, 3), keepdims=True)
        var = jnp.var(x, axis=(0, 2, 3), keepdims=True)
        x = (x - mu) / jnp.sqrt(var + 1e-5)
        x = x * gm[None, :, None, None] + bt[None, :, None, None]
        x = jax.nn.relu(x)
    x = jnp.max(x, axis=-1)               # (B, C_out, N)
    return jnp.transpose(x, (0, 2, 1))    # (B, N, C_out)


def reference(xyz, points, W0, b0, g0, beta0, W1, b1, g1, beta1, W2, b2, g2, beta2):
    params = [(W0, b0, g0, beta0), (W1, b1, g1, beta1), (W2, b2, g2, beta2)]
    return _forward(xyz, points, params)

if __name__ == "__main__":
    import jax
    _d = setup_inputs()
    print(jax.jit(kernel)(*tuple(_d.values())))

</pallas_src>

<mosaic_0001>
#map = affine_map<(d0, d1) -> (0, 0)>
#map1 = affine_map<(d0, d1) -> (0, 0, 0)>
module attributes {stable_mosaic.version = 14 : i64} {
  func.func @k(%arg0: i32, %arg1: i32, %arg2: memref<16384x64xf32, #tpu.memory_space<hbm>>, %arg3: memref<32x128x128xi32, #tpu.memory_space<hbm>>, %arg4: memref<4096x128x64xf32, #tpu.memory_space<hbm>>, %arg5: memref<128x128xi32, #tpu.memory_space<vmem>>, %arg6: memref<128x64xf32, #tpu.memory_space<vmem>>, %arg7: memref<!tpu.dma_semaphore, #tpu.memory_space<semaphore_mem>>) attributes {dimension_semantics = [#tpu.dimension_semantics<core_parallel>, #tpu.dimension_semantics<subcore_parallel>], iteration_bounds = array<i64: 2, 16>, scalar_prefetch = 0 : i64, scratch_operands = 3 : i64, tpu.core_type = #tpu.core_type<sc_vector_subcore>, window_params = [{transform_indices = #map}, {transform_indices = #map1}, {transform_indices = #map1}]} {
    %mul3A = arith.constant 2 : i32
    %mul3A_0 = arith.muli %arg1, %mul3A : i32
    %add3A = arith.addi %mul3A_0, %arg0 : i32
    "tpu.region"() ({
      %run_scoped3A = tpu.sem_alloc : memref<!tpu.dma_semaphore, #tpu.memory_space<semaphore_mem>>
      %dma_start3A = arith.constant 0 : i32
      %dma_start3A_6 = arith.constant 0 : i32
      %dma_start3A_7 = tpu.memref_slice %arg3[%add3A, %dma_start3A, %dma_start3A_6] : memref<32x128x128xi32, #tpu.memory_space<hbm>> -> memref<1x128x128xi32, #tpu.memory_space<hbm>>
      %dma_start3A_8 = tpu.memref_squeeze %dma_start3A_7 : memref<1x128x128xi32, #tpu.memory_space<hbm>> -> memref<128x128xi32, #tpu.memory_space<hbm>>
      %dma_start3A_9 = arith.constant 0 : i32
      %dma_start3A_10 = arith.constant 0 : i32
      %dma_start3A_11 = tpu.memref_slice %arg3[%add3A, %dma_start3A_9, %dma_start3A_10] : memref<32x128x128xi32, #tpu.memory_space<hbm>> -> memref<1x128x128xi32, #tpu.memory_space<hbm>>
      %dma_start3A_12 = tpu.memref_squeeze %dma_start3A_11 : memref<1x128x128xi32, #tpu.memory_space<hbm>> -> memref<128x128xi32, #tpu.memory_space<hbm>>
      tpu.enqueue_dma source(%dma_start3A_12 : memref<128x128xi32, #tpu.memory_space<hbm>>) target(%arg5 : memref<128x128xi32, #tpu.memory_space<vmem>>) target_semaphore(%run_scoped3A : memref<!tpu.dma_semaphore, #tpu.memory_space<semaphore_mem>>)
      %dma_wait3A = arith.constant 0 : i32
      %dma_wait3A_13 = arith.constant 0 : i32
      %dma_wait3A_14 = tpu.memref_slice %arg3[%add3A, %dma_wait3A, %dma_wait3A_13] : memref<32x128x128xi32, #tpu.memory_space<hbm>> -> memref<1x128x128xi32, #tpu.memory_space<hbm>>
      %dma_wait3A_15 = tpu.memref_squeeze %dma_wait3A_14 : memref<1x128x128xi32, #tpu.memory_space<hbm>> -> memref<128x128xi32, #tpu.memory_space<hbm>>
      %dma_wait3A_16 = arith.constant 0 : i32
      %dma_wait3A_17 = arith.constant 0 : i32
      %dma_wait3A_18 = tpu.memref_slice %arg3[%add3A, %dma_wait3A_16, %dma_wait3A_17] : memref<32x128x128xi32, #tpu.memory_space<hbm>> -> memref<1x128x128xi32, #tpu.memory_space<hbm>>
      %dma_wait3A_19 = tpu.memref_squeeze %dma_wait3A_18 : memref<1x128x128xi32, #tpu.memory_space<hbm>> -> memref<128x128xi32, #tpu.memory_space<hbm>>
      tpu.wait_dma2 semaphore(%run_scoped3A : memref<!tpu.dma_semaphore, #tpu.memory_space<semaphore_mem>>) src(%dma_wait3A_19 : memref<128x128xi32, #tpu.memory_space<hbm>>) dst(%arg5 : memref<128x128xi32, #tpu.memory_space<vmem>>)
      tpu.yield
    }) : () -> ()
    %scan3A = arith.constant 0 : i32
    %scan3A_1 = arith.constant 0 : i32
    %scan3A_2 = arith.constant 128 : i32
    %scan3A_3 = arith.addi %scan3A_1, %scan3A_2 : i32
    %scan3A_4 = arith.constant 1 : i32
    scf.for %scan3A_6 = %scan3A_1 to %scan3A_3 step %scan3A_4  : i32 {
      %dma_start3A = arith.constant 0 : i32
      %dma_start3A_7 = tpu.memref_slice %arg5[%scan3A_6, %dma_start3A] : memref<128x128xi32, #tpu.memory_space<vmem>> -> memref<1x128xi32, #tpu.memory_space<vmem>>
      %dma_start3A_8 = tpu.memref_squeeze %dma_start3A_7 : memref<1x128xi32, #tpu.memory_space<vmem>> -> memref<128xi32, #tpu.memory_space<vmem>>
      %dma_start3A_9 = arith.constant 0 : i32
      %dma_start3A_10 = arith.constant 0 : i32
      %dma_start3A_11 = tpu.memref_slice %arg2[%dma_start3A_9, %dma_start3A_10] : memref<16384x64xf32, #tpu.memory_space<hbm>> -> memref<16384x64xf32, #tpu.memory_space<hbm>>
      tpu.enqueue_indirect_dma source(%dma_start3A_11 : memref<16384x64xf32, #tpu.memory_space<hbm>>) target(%arg6 : memref<128x64xf32, #tpu.memory_space<vmem>>) offsets(%dma_start3A_8 : memref<128xi32, #tpu.memory_space<vmem>>) semaphore(%arg7 : memref<!tpu.dma_semaphore, #tpu.memory_space<semaphore_mem>>)
      %dma_wait3A = arith.constant 0 : i32
      %dma_wait3A_12 = tpu.memref_slice %arg5[%scan3A_6, %dma_wait3A] : memref<128x128xi32, #tpu.memory_space<vmem>> -> memref<1x128xi32, #tpu.memory_space<vmem>>
      %dma_wait3A_13 = tpu.memref_squeeze %dma_wait3A_12 : memref<1x128xi32, #tpu.memory_space<vmem>> -> memref<128xi32, #tpu.memory_space<vmem>>
      %dma_wait3A_14 = arith.constant 0 : i32
      %dma_wait3A_15 = arith.constant 0 : i32
      %dma_wait3A_16 = tpu.memref_slice %arg2[%dma_wait3A_14, %dma_wait3A_15] : memref<16384x64xf32, #tpu.memory_space<hbm>> -> memref<16384x64xf32, #tpu.memory_space<hbm>>
      tpu.wait_indirect_dma semaphore(%arg7 : memref<!tpu.dma_semaphore, #tpu.memory_space<semaphore_mem>>) src(%dma_wait3A_16 : memref<16384x64xf32, #tpu.memory_space<hbm>>) dst(%arg6 : memref<128x64xf32, #tpu.memory_space<vmem>>)
      %mul3A_17 = arith.constant 128 : i32
      %mul3A_18 = arith.muli %add3A, %mul3A_17 : i32
      %add3A_19 = arith.addi %mul3A_18, %scan3A_6 : i32
      "tpu.region"() ({
        %run_scoped3A = tpu.sem_alloc : memref<!tpu.dma_semaphore, #tpu.memory_space<semaphore_mem>>
        %dma_start3A_20 = arith.constant 0 : i32
        %dma_start3A_21 = arith.constant 0 : i32
        %dma_start3A_22 = tpu.memref_slice %arg4[%add3A_19, %dma_start3A_20, %dma_start3A_21] : memref<4096x128x64xf32, #tpu.memory_space<hbm>> -> memref<1x128x64xf32, #tpu.memory_space<hbm>>
        %dma_start3A_23 = tpu.memref_squeeze %dma_start3A_22 : memref<1x128x64xf32, #tpu.memory_space<hbm>> -> memref<128x64xf32, #tpu.memory_space<hbm>>
        %dma_start3A_24 = arith.constant 0 : i32
        %dma_start3A_25 = arith.constant 0 : i32
        %dma_start3A_26 = tpu.memref_slice %arg4[%add3A_19, %dma_start3A_24, %dma_start3A_25] : memref<4096x128x64xf32, #tpu.memory_space<hbm>> -> memref<1x128x64xf32, #tpu.memory_space<hbm>>
        %dma_start3A_27 = tpu.memref_squeeze %dma_start3A_26 : memref<1x128x64xf32, #tpu.memory_space<hbm>> -> memref<128x64xf32, #tpu.memory_space<hbm>>
        tpu.enqueue_dma source(%arg6 : memref<128x64xf32, #tpu.memory_space<vmem>>) target(%dma_start3A_27 : memref<128x64xf32, #tpu.memory_space<hbm>>) target_semaphore(%run_scoped3A : memref<!tpu.dma_semaphore, #tpu.memory_space<semaphore_mem>>)
        %dma_wait3A_28 = arith.constant 0 : i32
        %dma_wait3A_29 = arith.constant 0 : i32
        %dma_wait3A_30 = tpu.memref_slice %arg4[%add3A_19, %dma_wait3A_28, %dma_wait3A_29] : memref<4096x128x64xf32, #tpu.memory_space<hbm>> -> memref<1x128x64xf32, #tpu.memory_space<hbm>>
        %dma_wait3A_31 = tpu.memref_squeeze %dma_wait3A_30 : memref<1x128x64xf32, #tpu.memory_space<hbm>> -> memref<128x64xf32, #tpu.memory_space<hbm>>
        %dma_wait3A_32 = arith.constant 0 : i32
        %dma_wait3A_33 = arith.constant 0 : i32
        %dma_wait3A_34 = tpu.memref_slice %arg4[%add3A_19, %dma_wait3A_32, %dma_wait3A_33] : memref<4096x128x64xf32, #tpu.memory_space<hbm>> -> memref<1x128x64xf32, #tpu.memory_space<hbm>>
        %dma_wait3A_35 = tpu.memref_squeeze %dma_wait3A_34 : memref<1x128x64xf32, #tpu.memory_space<hbm>> -> memref<128x64xf32, #tpu.memory_space<hbm>>
        tpu.wait_dma2 semaphore(%run_scoped3A : memref<!tpu.dma_semaphore, #tpu.memory_space<semaphore_mem>>) src(%arg6 : memref<128x64xf32, #tpu.memory_space<vmem>>) dst(%dma_wait3A_35 : memref<128x64xf32, #tpu.memory_space<hbm>>)
        tpu.yield
      }) : () -> ()
    }
    %scan3A_5 = arith.constant 128 : i32
    return
  }
}

module attributes {stable_mosaic.version = 14 : i64} {
  func.func @_knn_body(%arg0: i32, %arg1: i32, %arg2: memref<1x3x4096xf32, #tpu.memory_space<vmem>>, %arg3: memref<1x512x3xf32, #tpu.memory_space<vmem>>, %arg4: memref<1x512x64xf32, #tpu.memory_space<vmem>>, %arg5: memref<67x64xf32, #tpu.memory_space<vmem>>, %arg6: memref<1x64xf32, #tpu.memory_space<vmem>>, %arg7: memref<1x512x32xi32, #tpu.memory_space<vmem>>, %arg8: memref<1x512x64xf32, #tpu.memory_space<vmem>>, %arg9: memref<1x512x64xf32, #tpu.memory_space<vmem>>) attributes {dimension_semantics = [#tpu.dimension_semantics<arbitrary>, #tpu.dimension_semantics<arbitrary>], iteration_bounds = array<i64: 4, 8>, scalar_prefetch = 0 : i64, scratch_operands = 0 : i64, tpu.core_type = #tpu.core_type<tc>, window_params = [{transform_indices = @transform_0, window_bounds = array<i64: 1, 3, 4096>}, {transform_indices = @transform_1, window_bounds = array<i64: 1, 512, 3>}, {transform_indices = @transform_2, window_bounds = array<i64: 1, 512, 64>}, {pipeline_mode = #tpu.pipeline_mode<synchronous>, transform_indices = @transform_3, window_bounds = array<i64: 67, 64>}, {pipeline_mode = #tpu.pipeline_mode<synchronous>, transform_indices = @transform_4, window_bounds = array<i64: 1, 64>}, {transform_indices = @transform_5, window_bounds = array<i64: 1, 512, 32>}, {transform_indices = @transform_6, window_bounds = array<i64: 1, 512, 64>}, {transform_indices = @transform_7, window_bounds = array<i64: 1, 512, 64>}]} {
    %get3A = arith.constant 0 : index
    %get3A_0 = arith.constant 0 : index
    %get3A_1 = arith.constant 0 : index
    %get3A_2 = vector.load %arg2[%get3A, %get3A_0, %get3A_1] : memref<1x3x4096xf32, #tpu.memory_space<vmem>>, vector<1x3x4096xf32>
    %get3A_3 = vector.shape_cast %get3A_2 : vector<1x3x4096xf32> to vector<3x4096xf32>
    %get3A_4 = arith.constant 0 : index
    %get3A_5 = arith.constant 0 : index
    %get3A_6 = arith.constant 0 : index
    %get3A_7 = vector.load %arg3[%get3A_4, %get3A_5, %get3A_6] : memref<1x512x3xf32, #tpu.memory_space<vmem>>, vector<1x512x3xf32>
    %get3A_8 = vector.shape_cast %get3A_7 : vector<1x512x3xf32> to vector<512x3xf32>
    %slice3A = vector.extract_strided_slice %get3A_3 {offsets = [0, 0], sizes = [1, 4096], strides = [1, 1]} : vector<3x4096xf32> to vector<1x4096xf32>
    %slice3A_9 = vector.extract_strided_slice %get3A_3 {offsets = [1, 0], sizes = [1, 4096], strides = [1, 1]} : vector<3x4096xf32> to vector<1x4096xf32>
    %slice3A_10 = vector.extract_strided_slice %get3A_3 {offsets = [2, 0], sizes = [1, 4096], strides = [1, 1]} : vector<3x4096xf32> to vector<1x4096xf32>
    %slice3A_11 = vector.extract_strided_slice %get3A_8 {offsets = [0, 0], sizes = [512, 1], strides = [1, 1]} : vector<512x3xf32> to vector<512x1xf32>
    %slice3A_12 = vector.extract_strided_slice %get3A_8 {offsets = [0, 1], sizes = [512, 1], strides = [1, 1]} : vector<512x3xf32> to vector<512x1xf32>
    %slice3A_13 = vector.extract_strided_slice %get3A_8 {offsets = [0, 2], sizes = [512, 1], strides = [1, 1]} : vector<512x3xf32> to vector<512x1xf32>
    %mul3A = arith.mulf %slice3A, %slice3A : vector<1x4096xf32>
    %mul3A_14 = arith.mulf %slice3A_9, %slice3A_9 : vector<1x4096xf32>
    %add3A = arith.addf %mul3A, %mul3A_14 : vector<1x4096xf32>
    %mul3A_15 = arith.mulf %slice3A_10, %slice3A_10 : vector<1x4096xf32>
    %add3A_16 = arith.addf %add3A, %mul3A_15 : vector<1x4096xf32>
    %mul3A_17 = arith.mulf %slice3A_11, %slice3A_11 : vector<512x1xf32>
    %mul3A_18 = arith.mulf %slice3A_12, %slice3A_12 : vector<512x1xf32>
    %add3A_19 = arith.addf %mul3A_17, %mul3A_18 : vector<512x1xf32>
    %mul3A_20 = arith.mulf %slice3A_13, %slice3A_13 : vector<512x1xf32>
    %add3A_21 = arith.addf %add3A_19, %mul3A_20 : vector<512x1xf32>
    %dot_general3A = arith.constant dense<0.000000e+00> : vector<512x4096xf32>
    %dot_general3A_22 = tpu.matmul %get3A_8, %get3A_3, %dot_general3A {dimension_numbers = #tpu.dot_dimension_numbers<[1], [0], [0], [1], [0, 0, 1, 1], [], []>, transpose_lhs_hint = false} : vector<512x3xf32>, vector<3x4096xf32>, vector<512x4096xf32> -> vector<512x4096xf32>
    %add3A_23 = vector.broadcast %add3A_21 : vector<512x1xf32> to vector<512x4096xf32>
    %add3A_24 = vector.broadcast %add3A_16 : vector<1x4096xf32> to vector<512x4096xf32>
    %add3A_25 = arith.addf %add3A_23, %add3A_24 : vector<512x4096xf32>
    %mul3A_26 = arith.constant 2.000000e+00 : f32
    %mul3A_27 = vector.broadcast %mul3A_26 : f32 to vector<512x4096xf32>
    %mul3A_28 = arith.mulf %mul3A_27, %dot_general3A_22 : vector<512x4096xf32>
    %sub3A = arith.subf %add3A_25, %mul3A_28 : vector<512x4096xf32>
    %iota3A = tpu.iota {dimensions = array<i32: 1>} : vector<512x4096xi32>
    %iota3A_29 = tpu.iota {dimensions = array<i32: 1>} : vector<512x32xi32>
    %broadcast_in_dim3A = arith.constant 0 : i32
    %broadcast_in_dim3A_30 = vector.broadcast %broadcast_in_dim3A : i32 to vector<512x32xi32>
    %scan3A = arith.constant 3.40282347E+38 : f32
    %scan3A_31 = arith.constant 0 : i32
    %scan3A_32 = arith.constant 16 : i32
    %scan3A_33 = arith.addi %scan3A_31, %scan3A_32 : i32
    %scan3A_34 = arith.constant 1 : i32
    %scan3A_35:2 = scf.for %scan3A_89 = %scan3A_31 to %scan3A_33 step %scan3A_34 iter_args(%scan3A_90 = %sub3A, %scan3A_91 = %broadcast_in_dim3A_30) -> (vector<512x4096xf32>, vector<512x32xi32>)  : i32 {
      %argmin3A = tpu.reduce_index %scan3A_90 {axis = 1 : i32, kind = #tpu.reduction_kind<arg_min>} : vector<512x4096xf32> -> vector<512xi32>
      %broadcast_in_dim3A_92 = vector.shape_cast %argmin3A : vector<512xi32> to vector<512x1xi32>
      %mul3A_93 = arith.constant 2 : i32
      %mul3A_94 = arith.muli %mul3A_93, %scan3A_89 : i32
      %eq3A = vector.broadcast %mul3A_94 : i32 to vector<512x32xi32>
      %eq3A_95 = arith.cmpi eq, %iota3A_29, %eq3A : vector<512x32xi32>
      %broadcast_in_dim3A_96 = vector.shape_cast %broadcast_in_dim3A_92 : vector<512x1xi32> to vector<512x1xi32>
      %broadcast_in_dim3A_97 = vector.broadcast %broadcast_in_dim3A_96 : vector<512x1xi32> to vector<512x32xi32>
      %select_n3A = arith.select %eq3A_95, %broadcast_in_dim3A_97, %scan3A_91 : vector<512x32xi1>, vector<512x32xi32>
      %eq3A_98 = vector.broadcast %broadcast_in_dim3A_92 : vector<512x1xi32> to vector<512x4096xi32>
      %eq3A_99 = arith.cmpi eq, %iota3A, %eq3A_98 : vector<512x4096xi32>
      %broadcast_in_dim3A_100 = vector.broadcast %scan3A : f32 to vector<512x4096xf32>
      %select_n3A_101 = arith.select %eq3A_99, %broadcast_in_dim3A_100, %scan3A_90 : vector<512x4096xi1>, vector<512x4096xf32>
      %argmin3A_102 = tpu.reduce_index %select_n3A_101 {axis = 1 : i32, kind = #tpu.reduction_kind<arg_min>} : vector<512x4096xf32> -> vector<512xi32>
      %broadcast_in_dim3A_103 = vector.shape_cast %argmin3A_102 : vector<512xi32> to vector<512x1xi32>
      %mul3A_104 = arith.constant 2 : i32
      %mul3A_105 = arith.muli %mul3A_104, %scan3A_89 : i32
      %add3A_106 = arith.constant 1 : i32
      %add3A_107 = arith.addi %mul3A_105, %add3A_106 : i32
      %eq3A_108 = vector.broadcast %add3A_107 : i32 to vector<512x32xi32>
      %eq3A_109 = arith.cmpi eq, %iota3A_29, %eq3A_108 : vector<512x32xi32>
      %broadcast_in_dim3A_110 = vector.shape_cast %broadcast_in_dim3A_103 : vector<512x1xi32> to vector<512x1xi32>
      %broadcast_in_dim3A_111 = vector.broadcast %broadcast_in_dim3A_110 : vector<512x1xi32> to vector<512x32xi32>
      %select_n3A_112 = arith.select %eq3A_109, %broadcast_in_dim3A_111, %select_n3A : vector<512x32xi1>, vector<512x32xi32>
      %eq3A_113 = vector.broadcast %broadcast_in_dim3A_103 : vector<512x1xi32> to vector<512x4096xi32>
      %eq3A_114 = arith.cmpi eq, %iota3A, %eq3A_113 : vector<512x4096xi32>
      %or3A = arith.ori %eq3A_99, %eq3A_114 : vector<512x4096xi1>
      %broadcast_in_dim3A_115 = vector.broadcast %scan3A : f32 to vector<512x4096xf32>
      %select_n3A_116 = arith.select %or3A, %broadcast_in_dim3A_115, %scan3A_90 : vector<512x4096xi1>, vector<512x4096xf32>
      scf.yield %select_n3A_116, %select_n3A_112 : vector<512x4096xf32>, vector<512x32xi32>
    }
    %scan3A_36 = arith.constant 16 : i32
    %mul3A_37 = arith.constant 4096 : i32
    %mul3A_38 = arith.muli %arg0, %mul3A_37 : i32
    %add3A_39 = vector.broadcast %mul3A_38 : i32 to vector<512x32xi32>
    %add3A_40 = arith.addi %scan3A_35#1, %add3A_39 : vector<512x32xi32>
    %swap3A = arith.constant 0 : index
    %swap3A_41 = arith.constant 0 : index
    %swap3A_42 = arith.constant 0 : index
    %swap3A_43 = vector.load %arg7[%swap3A, %swap3A_41, %swap3A_42] : memref<1x512x32xi32, #tpu.memory_space<vmem>>, vector<1x512x32xi32>
    %swap3A_44 = vector.shape_cast %swap3A_43 : vector<1x512x32xi32> to vector<512x32xi32>
    %swap3A_45 = vector.shape_cast %add3A_40 : vector<512x32xi32> to vector<1x512x32xi32>
    tpu.vector_store %arg7[%swap3A, %swap3A_41, %swap3A_42], %swap3A_45 {strides = array<i32>} : memref<1x512x32xi32, #tpu.memory_space<vmem>>, vector<1x512x32xi32>,
    %get3A_46 = arith.constant 0 : index
    %get3A_47 = arith.constant 0 : index
    %get3A_48 = vector.load %arg5[%get3A_46, %get3A_47] : memref<67x64xf32, #tpu.memory_space<vmem>>, vector<67x64xf32>
    %slice3A_49 = vector.extract_strided_slice %get3A_48 {offsets = [0, 0], sizes = [1, 64], strides = [1, 1]} : vector<67x64xf32> to vector<1x64xf32>
    %mul3A_50 = vector.broadcast %slice3A_11 : vector<512x1xf32> to vector<512x64xf32>
    %mul3A_51 = vector.broadcast %slice3A_49 : vector<1x64xf32> to vector<512x64xf32>
    %mul3A_52 = arith.mulf %mul3A_50, %mul3A_51 : vector<512x64xf32>
    %slice3A_53 = vector.extract_strided_slice %get3A_48 {offsets = [1, 0], sizes = [1, 64], strides = [1, 1]} : vector<67x64xf32> to vector<1x64xf32>
    %mul3A_54 = vector.broadcast %slice3A_12 : vector<512x1xf32> to vector<512x64xf32>
    %mul3A_55 = vector.broadcast %slice3A_53 : vector<1x64xf32> to vector<512x64xf32>
    %mul3A_56 = arith.mulf %mul3A_54, %mul3A_55 : vector<512x64xf32>
    %add3A_57 = arith.addf %mul3A_52, %mul3A_56 : vector<512x64xf32>
    %slice3A_58 = vector.extract_strided_slice %get3A_48 {offsets = [2, 0], sizes = [1, 64], strides = [1, 1]} : vector<67x64xf32> to vector<1x64xf32>
    %mul3A_59 = vector.broadcast %slice3A_13 : vector<512x1xf32> to vector<512x64xf32>
    %mul3A_60 = vector.broadcast %slice3A_58 : vector<1x64xf32> to vector<512x64xf32>
    %mul3A_61 = arith.mulf %mul3A_59, %mul3A_60 : vector<512x64xf32>
    %add3A_62 = arith.addf %add3A_57, %mul3A_61 : vector<512x64xf32>
    %get3A_63 = arith.constant 0 : index
    %get3A_64 = arith.constant 0 : index
    %get3A_65 = arith.constant 0 : index
    %get3A_66 = vector.load %arg4[%get3A_63, %get3A_64, %get3A_65] : memref<1x512x64xf32, #tpu.memory_space<vmem>>, vector<1x512x64xf32>
    %get3A_67 = vector.shape_cast %get3A_66 : vector<1x512x64xf32> to vector<512x64xf32>
    %slice3A_68 = vector.extract_strided_slice %get3A_48 {offsets = [3, 0], sizes = [64, 64], strides = [1, 1]} : vector<67x64xf32> to vector<64x64xf32>
    %dot_general3A_69 = arith.constant dense<0.000000e+00> : vector<512x64xf32>
    %dot_general3A_70 = tpu.matmul %get3A_67, %slice3A_68, %dot_general3A_69 {dimension_numbers = #tpu.dot_dimension_numbers<[1], [0], [0], [1], [0, 0, 1, 1], [], []>, precision = #tpu.contract_precision<fp32>, transpose_lhs_hint = false} : vector<512x64xf32>, vector<64x64xf32>, vector<512x64xf32> -> vector<512x64xf32>
    %add3A_71 = arith.addf %dot_general3A_70, %add3A_62 : vector<512x64xf32>
    %get3A_72 = arith.constant 0 : index
    %get3A_73 = arith.constant 0 : index
    %get3A_74 = vector.load %arg6[%get3A_72, %get3A_73] : memref<1x64xf32, #tpu.memory_space<vmem>>, vector<1x64xf32>
    %add3A_75 = vector.broadcast %get3A_74 : vector<1x64xf32> to vector<512x64xf32>
    %add3A_76 = arith.addf %add3A_71, %add3A_75 : vector<512x64xf32>
    %swap3A_77 = arith.constant 0 : index
    %swap3A_78 = arith.constant 0 : index
    %swap3A_79 = arith.constant 0 : index
    %swap3A_80 = vector.load %arg8[%swap3A_77, %swap3A_78, %swap3A_79] : memref<1x512x64xf32, #tpu.memory_space<vmem>>, vector<1x512x64xf32>
    %swap3A_81 = vector.shape_cast %swap3A_80 : vector<1x512x64xf32> to vector<512x64xf32>
    %swap3A_82 = vector.shape_cast %add3A_76 : vector<512x64xf32> to vector<1x512x64xf32>
    tpu.vector_store %arg8[%swap3A_77, %swap3A_78, %swap3A_79], %swap3A_82 {strides = array<i32>} : memref<1x512x64xf32, #tpu.memory_space<vmem>>, vector<1x512x64xf32>,
    %swap3A_83 = arith.constant 0 : index
    %swap3A_84 = arith.constant 0 : index
    %swap3A_85 = arith.constant 0 : index
    %swap3A_86 = vector.load %arg9[%swap3A_83, %swap3A_84, %swap3A_85] : memref<1x512x64xf32, #tpu.memory_space<vmem>>, vector<1x512x64xf32>
    %swap3A_87 = vector.shape_cast %swap3A_86 : vector<1x512x64xf32> to vector<512x64xf32>
    %swap3A_88 = vector.shape_cast %add3A_62 : vector<512x64xf32> to vector<1x512x64xf32>
    tpu.vector_store %arg9[%swap3A_83, %swap3A_84, %swap3A_85], %swap3A_88 {strides = array<i32>} : memref<1x512x64xf32, #tpu.memory_space<vmem>>, vector<1x512x64xf32>,
    return
  }
  func.func @transform_0(%arg0: i32, %arg1: i32) -> (i32, i32, i32) {
    %c0_i32 = arith.constant 0 : i32
    %c0_i32_0 = arith.constant 0 : i32
    %c0_i32_1 = arith.constant 0 : i32
    return %arg0, %c0_i32, %c0_i32_0 : i32, i32, i32
  }
  func.func @transform_1(%arg0: i32, %arg1: i32) -> (i32, i32, i32) {
    %c0_i32 = arith.constant 0 : i32
    %c0_i32_0 = arith.constant 0 : i32
    return %arg0, %arg1, %c0_i32 : i32, i32, i32
  }
  func.func @transform_2(%arg0: i32, %arg1: i32) -> (i32, i32, i32) {
    %c0_i32 = arith.constant 0 : i32
    %c0_i32_0 = arith.constant 0 : i32
    return %arg0, %arg1, %c0_i32 : i32, i32, i32
  }
  func.func @transform_3(%arg0: i32, %arg1: i32) -> (i32, i32) {
    %c0_i32 = arith.constant 0 : i32
    %c0_i32_0 = arith.constant 0 : i32
    %c0_i32_1 = arith.constant 0 : i32
    return %c0_i32, %c0_i32_0 : i32, i32
  }
  func.func @transform_4(%arg0: i32, %arg1: i32) -> (i32, i32) {
    %c0_i32 = arith.constant 0 : i32
    %c0_i32_0 = arith.constant 0 : i32
    %c0_i32_1 = arith.constant 0 : i32
    return %c0_i32, %c0_i32_0 : i32, i32
  }
  func.func @transform_5(%arg0: i32, %arg1: i32) -> (i32, i32, i32) {
    %c0_i32 = arith.constant 0 : i32
    %c0_i32_0 = arith.constant 0 : i32
    return %arg0, %arg1, %c0_i32 : i32, i32, i32
  }
  func.func @transform_6(%arg0: i32, %arg1: i32) -> (i32, i32, i32) {
    %c0_i32 = arith.constant 0 : i32
    %c0_i32_0 = arith.constant 0 : i32
    return %arg0, %arg1, %c0_i32 : i32, i32, i32
  }
  func.func @transform_7(%arg0: i32, %arg1: i32) -> (i32, i32, i32) {
    %c0_i32 = arith.constant 0 : i32
    %c0_i32_0 = arith.constant 0 : i32
    return %arg0, %arg1, %c0_i32 : i32, i32, i32
  }
}

module attributes {stable_mosaic.version = 14 : i64} {
  func.func @_stats_body(%arg0: i32, %arg1: memref<4096x64xf32, #tpu.memory_space<vmem>>, %arg2: memref<128x64xf32, #tpu.memory_space<vmem>>, %arg3: memref<8x64xf32, #tpu.memory_space<vmem>>) attributes {dimension_semantics = [#tpu.dimension_semantics<arbitrary>], iteration_bounds = array<i64: 128>, scalar_prefetch = 0 : i64, scratch_operands = 0 : i64, tpu.core_type = #tpu.core_type<tc>, window_params = [{transform_indices = @transform_0, window_bounds = array<i64: 4096, 64>}, {transform_indices = @transform_1, window_bounds = array<i64: 128, 64>}, {pipeline_mode = #tpu.pipeline_mode<synchronous>, transform_indices = @transform_2, window_bounds = array<i64: 8, 64>}]} {
    %get3A = arith.constant 0 : index
    %get3A_0 = arith.constant 0 : index
    %get3A_1 = vector.load %arg1[%get3A, %get3A_0] : memref<4096x64xf32, #tpu.memory_space<vmem>>, vector<4096x64xf32>
    %get3A_2 = arith.constant 0 : index
    %get3A_3 = arith.constant 0 : index
    %get3A_4 = vector.load %arg2[%get3A_2, %get3A_3] : memref<128x64xf32, #tpu.memory_space<vmem>>, vector<128x64xf32>
    %broadcast_in_dim3A = vector.shape_cast %get3A_4 : vector<128x64xf32> to vector<128x1x64xf32>
    %broadcast_in_dim3A_5 = vector.broadcast %broadcast_in_dim3A : vector<128x1x64xf32> to vector<128x32x64xf32>
    %reshape3A = vector.shape_cast %broadcast_in_dim3A_5 : vector<128x32x64xf32> to vector<4096x64xf32>
    %sub3A = arith.subf %get3A_1, %reshape3A : vector<4096x64xf32>
    %reduce_sum3A = arith.constant dense<0.000000e+00> : vector<64xf32>
    %reduce_sum3A_6 = vector.multi_reduction <add>, %sub3A, %reduce_sum3A [0] : vector<4096x64xf32> to vector<64xf32>
    %broadcast_in_dim3A_7 = vector.shape_cast %reduce_sum3A_6 : vector<64xf32> to vector<1x64xf32>
    %mul3A = arith.mulf %sub3A, %sub3A : vector<4096x64xf32>
    %reduce_sum3A_8 = arith.constant dense<0.000000e+00> : vector<64xf32>
    %reduce_sum3A_9 = vector.multi_reduction <add>, %mul3A, %reduce_sum3A_8 [0] : vector<4096x64xf32> to vector<64xf32>
    %broadcast_in_dim3A_10 = vector.shape_cast %reduce_sum3A_9 : vector<64xf32> to vector<1x64xf32>
    %eq3A = arith.constant 0 : i32
    %eq3A_11 = arith.cmpi eq, %arg0, %eq3A : i32
    %convert_element_type3A = arith.extui %eq3A_11 : i1 to i32
    %cond3A = arith.constant 0 : i32
    %cond3A_12 = arith.cmpi ne, %convert_element_type3A, %cond3A : i32
    scf.if %cond3A_12 {
      %broadcast_in_dim3A_25 = arith.constant 0.000000e+00 : f32
      %broadcast_in_dim3A_26 = vector.broadcast %broadcast_in_dim3A_25 : f32 to vector<8x64xf32>
      %swap3A_27 = arith.constant 0 : index
      %swap3A_28 = arith.constant 0 : index
      %swap3A_29 = vector.load %arg3[%swap3A_27, %swap3A_28] : memref<8x64xf32, #tpu.memory_space<vmem>>, vector<8x64xf32>
      tpu.vector_store %arg3[%swap3A_27, %swap3A_28], %broadcast_in_dim3A_26 {strides = array<i32>} : memref<8x64xf32, #tpu.memory_space<vmem>>, vector<8x64xf32>,
    } else {
    }
    %get3A_13 = arith.constant 0 : index
    %get3A_14 = arith.constant 0 : index
    %get3A_15 = vector.load %arg3[%get3A_13, %get3A_14] : memref<8x64xf32, #tpu.memory_space<vmem>>, vector<1x64xf32>
    %add3A = arith.addf %get3A_15, %broadcast_in_dim3A_7 : vector<1x64xf32>
    %swap3A = arith.constant 0 : index
    %swap3A_16 = arith.constant 0 : index
    %swap3A_17 = vector.load %arg3[%swap3A, %swap3A_16] : memref<8x64xf32, #tpu.memory_space<vmem>>, vector<1x64xf32>
    tpu.vector_store %arg3[%swap3A, %swap3A_16], %add3A {strides = array<i32>} : memref<8x64xf32, #tpu.memory_space<vmem>>, vector<1x64xf32>,
    %get3A_18 = arith.constant 1 : index
    %get3A_19 = arith.constant 0 : index
    %get3A_20 = vector.load %arg3[%get3A_18, %get3A_19] : memref<8x64xf32, #tpu.memory_space<vmem>>, vector<1x64xf32>
    %add3A_21 = arith.addf %get3A_20, %broadcast_in_dim3A_10 : vector<1x64xf32>
    %swap3A_22 = arith.constant 1 : index
    %swap3A_23 = arith.constant 0 : index
    %swap3A_24 = vector.load %arg3[%swap3A_22, %swap3A_23] : memref<8x64xf32, #tpu.memory_space<vmem>>, vector<1x64xf32>
    tpu.vector_store %arg3[%swap3A_22, %swap3A_23], %add3A_21 {strides = array<i32>} : memref<8x64xf32, #tpu.memory_space<vmem>>, vector<1x64xf32>,
    return
  }
  func.func @transform_0(%arg0: i32) -> (i32, i32) {
    %c0_i32 = arith.constant 0 : i32
    %c0_i32_0 = arith.constant 0 : i32
    return %arg0, %c0_i32 : i32, i32
  }
  func.func @transform_1(%arg0: i32) -> (i32, i32) {
    %c0_i32 = arith.constant 0 : i32
    %c0_i32_0 = arith.constant 0 : i32
    return %arg0, %c0_i32 : i32, i32
  }
  func.func @transform_2(%arg0: i32) -> (i32, i32) {
    %c0_i32 = arith.constant 0 : i32
    %c0_i32_0 = arith.constant 0 : i32
    %c0_i32_1 = arith.constant 0 : i32
    return %c0_i32, %c0_i32_0 : i32, i32
  }
}

module attributes {stable_mosaic.version = 14 : i64} {
  func.func @_layer_body(%arg0: i32, %arg1: memref<4096x64xf32, #tpu.memory_space<vmem>>, %arg2: memref<128x64xf32, #tpu.memory_space<vmem>>, %arg3: memref<1x64xf32, #tpu.memory_space<vmem>>, %arg4: memref<1x64xf32, #tpu.memory_space<vmem>>, %arg5: memref<64x64xf32, #tpu.memory_space<vmem>>, %arg6: memref<4096x64xf32, #tpu.memory_space<vmem>>, %arg7: memref<8x64xf32, #tpu.memory_space<vmem>>) attributes {dimension_semantics = [#tpu.dimension_semantics<arbitrary>], iteration_bounds = array<i64: 128>, scalar_prefetch = 0 : i64, scratch_operands = 0 : i64, tpu.core_type = #tpu.core_type<tc>, window_params = [{transform_indices = @transform_0, window_bounds = array<i64: 4096, 64>}, {transform_indices = @transform_1, window_bounds = array<i64: 128, 64>}, {pipeline_mode = #tpu.pipeline_mode<synchronous>, transform_indices = @transform_2, window_bounds = array<i64: 1, 64>}, {pipeline_mode = #tpu.pipeline_mode<synchronous>, transform_indices = @transform_3, window_bounds = array<i64: 1, 64>}, {pipeline_mode = #tpu.pipeline_mode<synchronous>, transform_indices = @transform_4, window_bounds = array<i64: 64, 64>}, {transform_indices = @transform_5, window_bounds = array<i64: 4096, 64>}, {pipeline_mode = #tpu.pipeline_mode<synchronous>, transform_indices = @transform_6, window_bounds = array<i64: 8, 64>}]} {
    %get3A = arith.constant 0 : index
    %get3A_0 = arith.constant 0 : index
    %get3A_1 = vector.load %arg1[%get3A, %get3A_0] : memref<4096x64xf32, #tpu.memory_space<vmem>>, vector<4096x64xf32>
    %get3A_2 = arith.constant 0 : index
    %get3A_3 = arith.constant 0 : index
    %get3A_4 = vector.load %arg2[%get3A_2, %get3A_3] : memref<128x64xf32, #tpu.memory_space<vmem>>, vector<128x64xf32>
    %broadcast_in_dim3A = vector.shape_cast %get3A_4 : vector<128x64xf32> to vector<128x1x64xf32>
    %broadcast_in_dim3A_5 = vector.broadcast %broadcast_in_dim3A : vector<128x1x64xf32> to vector<128x32x64xf32>
    %reshape3A = vector.shape_cast %broadcast_in_dim3A_5 : vector<128x32x64xf32> to vector<4096x64xf32>
    %sub3A = arith.subf %get3A_1, %reshape3A : vector<4096x64xf32>
    %get3A_6 = arith.constant 0 : index
    %get3A_7 = arith.constant 0 : index
    %get3A_8 = vector.load %arg3[%get3A_6, %get3A_7] : memref<1x64xf32, #tpu.memory_space<vmem>>, vector<1x64xf32>
    %mul3A = vector.broadcast %get3A_8 : vector<1x64xf32> to vector<4096x64xf32>
    %mul3A_9 = arith.mulf %sub3A, %mul3A : vector<4096x64xf32>
    %get3A_10 = arith.constant 0 : index
    %get3A_11 = arith.constant 0 : index
    %get3A_12 = vector.load %arg4[%get3A_10, %get3A_11] : memref<1x64xf32, #tpu.memory_space<vmem>>, vector<1x64xf32>
    %add3A = vector.broadcast %get3A_12 : vector<1x64xf32> to vector<4096x64xf32>
    %add3A_13 = arith.addf %mul3A_9, %add3A : vector<4096x64xf32>
    %max3A = arith.constant 0.000000e+00 : f32
    %max3A_14 = vector.broadcast %max3A : f32 to vector<4096x64xf32>
    %max3A_15 = arith.maximumf %add3A_13, %max3A_14 : vector<4096x64xf32>
    %get3A_16 = arith.constant 0 : index
    %get3A_17 = arith.constant 0 : index
    %get3A_18 = vector.load %arg5[%get3A_16, %get3A_17] : memref<64x64xf32, #tpu.memory_space<vmem>>, vector<64x64xf32>
    %dot_general3A = arith.constant dense<0.000000e+00> : vector<4096x64xf32>
    %dot_general3A_19 = tpu.matmul %max3A_15, %get3A_18, %dot_general3A {dimension_numbers = #tpu.dot_dimension_numbers<[1], [0], [0], [1], [0, 0, 1, 1], [], []>, precision = #tpu.contract_precision<fp32>, transpose_lhs_hint = false} : vector<4096x64xf32>, vector<64x64xf32>, vector<4096x64xf32> -> vector<4096x64xf32>
    %swap3A = arith.constant 0 : index
    %swap3A_20 = arith.constant 0 : index
    %swap3A_21 = vector.load %arg6[%swap3A, %swap3A_20] : memref<4096x64xf32, #tpu.memory_space<vmem>>, vector<4096x64xf32>
    tpu.vector_store %arg6[%swap3A, %swap3A_20], %dot_general3A_19 {strides = array<i32>} : memref<4096x64xf32, #tpu.memory_space<vmem>>, vector<4096x64xf32>,
    %reduce_sum3A = arith.constant dense<0.000000e+00> : vector<64xf32>
    %reduce_sum3A_22 = vector.multi_reduction <add>, %dot_general3A_19, %reduce_sum3A [0] : vector<4096x64xf32> to vector<64xf32>
    %broadcast_in_dim3A_23 = vector.shape_cast %reduce_sum3A_22 : vector<64xf32> to vector<1x64xf32>
    %mul3A_24 = arith.mulf %dot_general3A_19, %dot_general3A_19 : vector<4096x64xf32>
    %reduce_sum3A_25 = arith.constant dense<0.000000e+00> : vector<64xf32>
    %reduce_sum3A_26 = vector.multi_reduction <add>, %mul3A_24, %reduce_sum3A_25 [0] : vector<4096x64xf32> to vector<64xf32>
    %broadcast_in_dim3A_27 = vector.shape_cast %reduce_sum3A_26 : vector<64xf32> to vector<1x64xf32>
    %eq3A = arith.constant 0 : i32
    %eq3A_28 = arith.cmpi eq, %arg0, %eq3A : i32
    %convert_element_type3A = arith.extui %eq3A_28 : i1 to i32
    %cond3A = arith.constant 0 : i32
    %cond3A_29 = arith.cmpi ne, %convert_element_type3A, %cond3A : i32
    scf.if %cond3A_29 {
      %broadcast_in_dim3A_44 = arith.constant 0.000000e+00 : f32
      %broadcast_in_dim3A_45 = vector.broadcast %broadcast_in_dim3A_44 : f32 to vector<8x64xf32>
      %swap3A_46 = arith.constant 0 : index
      %swap3A_47 = arith.constant 0 : index
      %swap3A_48 = vector.load %arg7[%swap3A_46, %swap3A_47] : memref<8x64xf32, #tpu.memory_space<vmem>>, vector<8x64xf32>
      tpu.vector_store %arg7[%swap3A_46, %swap3A_47], %broadcast_in_dim3A_45 {strides = array<i32>} : memref<8x64xf32, #tpu.memory_space<vmem>>, vector<8x64xf32>,
    } else {
    }
    %get3A_30 = arith.constant 0 : index
    %get3A_31 = arith.constant 0 : index
    %get3A_32 = vector.load %arg7[%get3A_30, %get3A_31] : memref<8x64xf32, #tpu.memory_space<vmem>>, vector<1x64xf32>
    %add3A_33 = arith.addf %get3A_32, %broadcast_in_dim3A_23 : vector<1x64xf32>
    %swap3A_34 = arith.constant 0 : index
    %swap3A_35 = arith.constant 0 : index
    %swap3A_36 = vector.load %arg7[%swap3A_34, %swap3A_35] : memref<8x64xf32, #tpu.memory_space<vmem>>, vector<1x64xf32>
    tpu.vector_store %arg7[%swap3A_34, %swap3A_35], %add3A_33 {strides = array<i32>} : memref<8x64xf32, #tpu.memory_space<vmem>>, vector<1x64xf32>,
    %get3A_37 = arith.constant 1 : index
    %get3A_38 = arith.constant 0 : index
    %get3A_39 = vector.load %arg7[%get3A_37, %get3A_38] : memref<8x64xf32, #tpu.memory_space<vmem>>, vector<1x64xf32>
    %add3A_40 = arith.addf %get3A_39, %broadcast_in_dim3A_27 : vector<1x64xf32>
    %swap3A_41 = arith.constant 1 : index
    %swap3A_42 = arith.constant 0 : index
    %swap3A_43 = vector.load %arg7[%swap3A_41, %swap3A_42] : memref<8x64xf32, #tpu.memory_space<vmem>>, vector<1x64xf32>
    tpu.vector_store %arg7[%swap3A_41, %swap3A_42], %add3A_40 {strides = array<i32>} : memref<8x64xf32, #tpu.memory_space<vmem>>, vector<1x64xf32>,
    return
  }
  func.func @transform_0(%arg0: i32) -> (i32, i32) {
    %c0_i32 = arith.constant 0 : i32
    %c0_i32_0 = arith.constant 0 : i32
    return %arg0, %c0_i32 : i32, i32
  }
  func.func @transform_1(%arg0: i32) -> (i32, i32) {
    %c0_i32 = arith.constant 0 : i32
    %c0_i32_0 = arith.constant 0 : i32
    return %arg0, %c0_i32 : i32, i32
  }
  func.func @transform_2(%arg0: i32) -> (i32, i32) {
    %c0_i32 = arith.constant 0 : i32
    %c0_i32_0 = arith.constant 0 : i32
    %c0_i32_1 = arith.constant 0 : i32
    return %c0_i32, %c0_i32_0 : i32, i32
  }
  func.func @transform_3(%arg0: i32) -> (i32, i32) {
    %c0_i32 = arith.constant 0 : i32
    %c0_i32_0 = arith.constant 0 : i32
    %c0_i32_1 = arith.constant 0 : i32
    return %c0_i32, %c0_i32_0 : i32, i32
  }
  func.func @transform_4(%arg0: i32) -> (i32, i32) {
    %c0_i32 = arith.constant 0 : i32
    %c0_i32_0 = arith.constant 0 : i32
    %c0_i32_1 = arith.constant 0 : i32
    return %c0_i32, %c0_i32_0 : i32, i32
  }
  func.func @transform_5(%arg0: i32) -> (i32, i32) {
    %c0_i32 = arith.constant 0 : i32
    %c0_i32_0 = arith.constant 0 : i32
    return %arg0, %c0_i32 : i32, i32
  }
  func.func @transform_6(%arg0: i32) -> (i32, i32) {
    %c0_i32 = arith.constant 0 : i32
    %c0_i32_0 = arith.constant 0 : i32
    %c0_i32_1 = arith.constant 0 : i32
    return %c0_i32, %c0_i32_0 : i32, i32
  }
}

module attributes {stable_mosaic.version = 14 : i64} {
  func.func @_layer_body(%arg0: i32, %arg1: memref<4096x64xf32, #tpu.memory_space<vmem>>, %arg2: memref<1x1xf32, #tpu.memory_space<vmem>>, %arg3: memref<1x64xf32, #tpu.memory_space<vmem>>, %arg4: memref<1x64xf32, #tpu.memory_space<vmem>>, %arg5: memref<64x128xf32, #tpu.memory_space<vmem>>, %arg6: memref<4096x128xf32, #tpu.memory_space<vmem>>, %arg7: memref<8x128xf32, #tpu.memory_space<vmem>>) attributes {dimension_semantics = [#tpu.dimension_semantics<arbitrary>], iteration_bounds = array<i64: 128>, scalar_prefetch = 0 : i64, scratch_operands = 0 : i64, tpu.core_type = #tpu.core_type<tc>, window_params = [{transform_indices = @transform_0, window_bounds = array<i64: 4096, 64>}, {pipeline_mode = #tpu.pipeline_mode<synchronous>, transform_indices = @transform_1, window_bounds = array<i64: 1, 1>}, {pipeline_mode = #tpu.pipeline_mode<synchronous>, transform_indices = @transform_2, window_bounds = array<i64: 1, 64>}, {pipeline_mode = #tpu.pipeline_mode<synchronous>, transform_indices = @transform_3, window_bounds = array<i64: 1, 64>}, {pipeline_mode = #tpu.pipeline_mode<synchronous>, transform_indices = @transform_4, window_bounds = array<i64: 64, 128>}, {transform_indices = @transform_5, window_bounds = array<i64: 4096, 128>}, {pipeline_mode = #tpu.pipeline_mode<synchronous>, transform_indices = @transform_6, window_bounds = array<i64: 8, 128>}]} {
    %get3A = arith.constant 0 : index
    %get3A_0 = arith.constant 0 : index
    %get3A_1 = vector.load %arg1[%get3A, %get3A_0] : memref<4096x64xf32, #tpu.memory_space<vmem>>, vector<4096x64xf32>
    %get3A_2 = arith.constant 0 : index
    %get3A_3 = arith.constant 0 : index
    %get3A_4 = vector.load %arg3[%get3A_2, %get3A_3] : memref<1x64xf32, #tpu.memory_space<vmem>>, vector<1x64xf32>
    %mul3A = vector.broadcast %get3A_4 : vector<1x64xf32> to vector<4096x64xf32>
    %mul3A_5 = arith.mulf %get3A_1, %mul3A : vector<4096x64xf32>
    %get3A_6 = arith.constant 0 : index
    %get3A_7 = arith.constant 0 : index
    %get3A_8 = vector.load %arg4[%get3A_6, %get3A_7] : memref<1x64xf32, #tpu.memory_space<vmem>>, vector<1x64xf32>
    %add3A = vector.broadcast %get3A_8 : vector<1x64xf32> to vector<4096x64xf32>
    %add3A_9 = arith.addf %mul3A_5, %add3A : vector<4096x64xf32>
    %max3A = arith.constant 0.000000e+00 : f32
    %max3A_10 = vector.broadcast %max3A : f32 to vector<4096x64xf32>
    %max3A_11 = arith.maximumf %add3A_9, %max3A_10 : vector<4096x64xf32>
    %get3A_12 = arith.constant 0 : index
    %get3A_13 = arith.constant 0 : index
    %get3A_14 = vector.load %arg5[%get3A_12, %get3A_13] : memref<64x128xf32, #tpu.memory_space<vmem>>, vector<64x128xf32>
    %dot_general3A = arith.constant dense<0.000000e+00> : vector<4096x128xf32>
    %dot_general3A_15 = tpu.matmul %max3A_11, %get3A_14, %dot_general3A {dimension_numbers = #tpu.dot_dimension_numbers<[1], [0], [0], [1], [0, 0, 1, 1], [], []>, precision = #tpu.contract_precision<fp32>, transpose_lhs_hint = false} : vector<4096x64xf32>, vector<64x128xf32>, vector<4096x128xf32> -> vector<4096x128xf32>
    %swap3A = arith.constant 0 : index
    %swap3A_16 = arith.constant 0 : index
    %swap3A_17 = vector.load %arg6[%swap3A, %swap3A_16] : memref<4096x128xf32, #tpu.memory_space<vmem>>, vector<4096x128xf32>
    tpu.vector_store %arg6[%swap3A, %swap3A_16], %dot_general3A_15 {strides = array<i32>} : memref<4096x128xf32, #tpu.memory_space<vmem>>, vector<4096x128xf32>,
    %reduce_sum3A = arith.constant dense<0.000000e+00> : vector<128xf32>
    %reduce_sum3A_18 = vector.multi_reduction <add>, %dot_general3A_15, %reduce_sum3A [0] : vector<4096x128xf32> to vector<128xf32>
    %broadcast_in_dim3A = vector.shape_cast %reduce_sum3A_18 : vector<128xf32> to vector<1x128xf32>
    %mul3A_19 = arith.mulf %dot_general3A_15, %dot_general3A_15 : vector<4096x128xf32>
    %reduce_sum3A_20 = arith.constant dense<0.000000e+00> : vector<128xf32>
    %reduce_sum3A_21 = vector.multi_reduction <add>, %mul3A_19, %reduce_sum3A_20 [0] : vector<4096x128xf32> to vector<128xf32>
    %broadcast_in_dim3A_22 = vector.shape_cast %reduce_sum3A_21 : vector<128xf32> to vector<1x128xf32>
    %eq3A = arith.constant 0 : i32
    %eq3A_23 = arith.cmpi eq, %arg0, %eq3A : i32
    %convert_element_type3A = arith.extui %eq3A_23 : i1 to i32
    %cond3A = arith.constant 0 : i32
    %cond3A_24 = arith.cmpi ne, %convert_element_type3A, %cond3A : i32
    scf.if %cond3A_24 {
      %broadcast_in_dim3A_39 = arith.constant 0.000000e+00 : f32
      %broadcast_in_dim3A_40 = vector.broadcast %broadcast_in_dim3A_39 : f32 to vector<8x128xf32>
      %swap3A_41 = arith.constant 0 : index
      %swap3A_42 = arith.constant 0 : index
      %swap3A_43 = vector.load %arg7[%swap3A_41, %swap3A_42] : memref<8x128xf32, #tpu.memory_space<vmem>>, vector<8x128xf32>
      tpu.vector_store %arg7[%swap3A_41, %swap3A_42], %broadcast_in_dim3A_40 {strides = array<i32>} : memref<8x128xf32, #tpu.memory_space<vmem>>, vector<8x128xf32>,
    } else {
    }
    %get3A_25 = arith.constant 0 : index
    %get3A_26 = arith.constant 0 : index
    %get3A_27 = vector.load %arg7[%get3A_25, %get3A_26] : memref<8x128xf32, #tpu.memory_space<vmem>>, vector<1x128xf32>
    %add3A_28 = arith.addf %get3A_27, %broadcast_in_dim3A : vector<1x128xf32>
    %swap3A_29 = arith.constant 0 : index
    %swap3A_30 = arith.constant 0 : index
    %swap3A_31 = vector.load %arg7[%swap3A_29, %swap3A_30] : memref<8x128xf32, #tpu.memory_space<vmem>>, vector<1x128xf32>
    tpu.vector_store %arg7[%swap3A_29, %swap3A_30], %add3A_28 {strides = array<i32>} : memref<8x128xf32, #tpu.memory_space<vmem>>, vector<1x128xf32>,
    %get3A_32 = arith.constant 1 : index
    %get3A_33 = arith.constant 0 : index
    %get3A_34 = vector.load %arg7[%get3A_32, %get3A_33] : memref<8x128xf32, #tpu.memory_space<vmem>>, vector<1x128xf32>
    %add3A_35 = arith.addf %get3A_34, %broadcast_in_dim3A_22 : vector<1x128xf32>
    %swap3A_36 = arith.constant 1 : index
    %swap3A_37 = arith.constant 0 : index
    %swap3A_38 = vector.load %arg7[%swap3A_36, %swap3A_37] : memref<8x128xf32, #tpu.memory_space<vmem>>, vector<1x128xf32>
    tpu.vector_store %arg7[%swap3A_36, %swap3A_37], %add3A_35 {strides = array<i32>} : memref<8x128xf32, #tpu.memory_space<vmem>>, vector<1x128xf32>,
    return
  }
  func.func @transform_0(%arg0: i32) -> (i32, i32) {
    %c0_i32 = arith.constant 0 : i32
    %c0_i32_0 = arith.constant 0 : i32
    return %arg0, %c0_i32 : i32, i32
  }
  func.func @transform_1(%arg0: i32) -> (i32, i32) {
    %c0_i32 = arith.constant 0 : i32
    %c0_i32_0 = arith.constant 0 : i32
    %c0_i32_1 = arith.constant 0 : i32
    return %c0_i32, %c0_i32_0 : i32, i32
  }
  func.func @transform_2(%arg0: i32) -> (i32, i32) {
    %c0_i32 = arith.constant 0 : i32
    %c0_i32_0 = arith.constant 0 : i32
    %c0_i32_1 = arith.constant 0 : i32
    return %c0_i32, %c0_i32_0 : i32, i32
  }
  func.func @transform_3(%arg0: i32) -> (i32, i32) {
    %c0_i32 = arith.constant 0 : i32
    %c0_i32_0 = arith.constant 0 : i32
    %c0_i32_1 = arith.constant 0 : i32
    return %c0_i32, %c0_i32_0 : i32, i32
  }
  func.func @transform_4(%arg0: i32) -> (i32, i32) {
    %c0_i32 = arith.constant 0 : i32
    %c0_i32_0 = arith.constant 0 : i32
    %c0_i32_1 = arith.constant 0 : i32
    return %c0_i32, %c0_i32_0 : i32, i32
  }
  func.func @transform_5(%arg0: i32) -> (i32, i32) {
    %c0_i32 = arith.constant 0 : i32
    %c0_i32_0 = arith.constant 0 : i32
    return %arg0, %c0_i32 : i32, i32
  }
  func.func @transform_6(%arg0: i32) -> (i32, i32) {
    %c0_i32 = arith.constant 0 : i32
    %c0_i32_0 = arith.constant 0 : i32
    %c0_i32_1 = arith.constant 0 : i32
    return %c0_i32, %c0_i32_0 : i32, i32
  }
}

module attributes {stable_mosaic.version = 14 : i64} {
  func.func @_final_body(%arg0: i32, %arg1: memref<4096x128xf32, #tpu.memory_space<vmem>>, %arg2: memref<1x128xf32, #tpu.memory_space<vmem>>, %arg3: memref<1x128xf32, #tpu.memory_space<vmem>>, %arg4: memref<128x128xf32, #tpu.memory_space<vmem>>) attributes {dimension_semantics = [#tpu.dimension_semantics<arbitrary>], iteration_bounds = array<i64: 128>, scalar_prefetch = 0 : i64, scratch_operands = 0 : i64, tpu.core_type = #tpu.core_type<tc>, window_params = [{transform_indices = @transform_0, window_bounds = array<i64: 4096, 128>}, {pipeline_mode = #tpu.pipeline_mode<synchronous>, transform_indices = @transform_1, window_bounds = array<i64: 1, 128>}, {pipeline_mode = #tpu.pipeline_mode<synchronous>, transform_indices = @transform_2, window_bounds = array<i64: 1, 128>}, {transform_indices = @transform_3, window_bounds = array<i64: 128, 128>}]} {
    %get3A = arith.constant 0 : index
    %get3A_0 = arith.constant 0 : index
    %get3A_1 = vector.load %arg1[%get3A, %get3A_0] : memref<4096x128xf32, #tpu.memory_space<vmem>>, vector<4096x128xf32>
    %get3A_2 = arith.constant 0 : index
    %get3A_3 = arith.constant 0 : index
    %get3A_4 = vector.load %arg2[%get3A_2, %get3A_3] : memref<1x128xf32, #tpu.memory_space<vmem>>, vector<1x128xf32>
    %mul3A = vector.broadcast %get3A_4 : vector<1x128xf32> to vector<4096x128xf32>
    %mul3A_5 = arith.mulf %get3A_1, %mul3A : vector<4096x128xf32>
    %get3A_6 = arith.constant 0 : index
    %get3A_7 = arith.constant 0 : index
    %get3A_8 = vector.load %arg3[%get3A_6, %get3A_7] : memref<1x128xf32, #tpu.memory_space<vmem>>, vector<1x128xf32>
    %add3A = vector.broadcast %get3A_8 : vector<1x128xf32> to vector<4096x128xf32>
    %add3A_9 = arith.addf %mul3A_5, %add3A : vector<4096x128xf32>
    %max3A = arith.constant 0.000000e+00 : f32
    %max3A_10 = vector.broadcast %max3A : f32 to vector<4096x128xf32>
    %max3A_11 = arith.maximumf %add3A_9, %max3A_10 : vector<4096x128xf32>
    %reshape3A = vector.shape_cast %max3A_11 : vector<4096x128xf32> to vector<128x32x128xf32>
    %reduce_max3A = arith.constant dense<0xFF800000> : vector<128x128xf32>
    %reduce_max3A_12 = vector.multi_reduction <maximumf>, %reshape3A, %reduce_max3A [1] : vector<128x32x128xf32> to vector<128x128xf32>
    %swap3A = arith.constant 0 : index
    %swap3A_13 = arith.constant 0 : index
    %swap3A_14 = vector.load %arg4[%swap3A, %swap3A_13] : memref<128x128xf32, #tpu.memory_space<vmem>>, vector<128x128xf32>
    tpu.vector_store %arg4[%swap3A, %swap3A_13], %reduce_max3A_12 {strides = array<i32>} : memref<128x128xf32, #tpu.memory_space<vmem>>, vector<128x128xf32>,
    return
  }
  func.func @transform_0(%arg0: i32) -> (i32, i32) {
    %c0_i32 = arith.constant 0 : i32
    %c0_i32_0 = arith.constant 0 : i32
    return %arg0, %c0_i32 : i32, i32
  }
  func.func @transform_1(%arg0: i32) -> (i32, i32) {
    %c0_i32 = arith.constant 0 : i32
    %c0_i32_0 = arith.constant 0 : i32
    %c0_i32_1 = arith.constant 0 : i32
    return %c0_i32, %c0_i32_0 : i32, i32
  }
  func.func @transform_2(%arg0: i32) -> (i32, i32) {
    %c0_i32 = arith.constant 0 : i32
    %c0_i32_0 = arith.constant 0 : i32
    %c0_i32_1 = arith.constant 0 : i32
    return %c0_i32, %c0_i32_0 : i32, i32
  }
  func.func @transform_3(%arg0: i32) -> (i32, i32) {
    %c0_i32 = arith.constant 0 : i32
    %c0_i32_0 = arith.constant 0 : i32
    return %arg0, %c0_i32 : i32, i32
  }
}

</mosaic_0001>

<sc_bundles>
// kernel: kernel.8.cloned.1.call-start
scs
__scs_entry_jumppad:
0x0: {  	(pc) =	sbr.rel $0x88, $3  }
0x1: {  	(tag) =	ssettag $0x0;
	lr =	simm.s32 $0x1  }
0x2: {  	[smem:$0x3F95] =	sst lr;
	_ =	strace $0xD0000000  }
0x3: {  	_ = 	snop  }
0x4: {  	_ = 	snop  }
0x5: {  	_ = 	snop  }
0x6: {  	_ = 	snop  }
0x7: {  	_ = 	snop  }
__scs_overlays_trampoline_lowered:
0x8: {  	[smem:$0x3FA4] =	sst s0  }
0x9: {  	[smem:$0x3FA5] =	sst s1  }
0xa: {  	[smem:$0x3FA6] =	sst s2  }
0xb: {  	[smem:$0x3FA7] =	sst s3  }
0xc: {  	[smem:$0x3FA8] =	sst s4  }
0xd: {  	[smem:$0x3FA9] =	sst s5  }
0xe: {  	[smem:$0x3FAA] =	sst s6  }
0xf: {  	[smem:$0x3FAB] =	sst s7  }
0x10: {  	[smem:$0x3FAC] =	sst s8  }
0x11: {  	[smem:$0x3FAD] =	sst s9;
	s0 =	simm.s32 @!p0 $0x0  }
0x12: {  	s1 =	sld [smem:$0x3F93];
	s0 =	simm.s32 @p0 $0x1  }
0x13: {  	[smem:$0x3FAE] =	sst s0;
	s0 =	simm.s32 @!p1 $0x0  }
0x14: {  	s2 =	sld [smem:$0x3F92];
	s0 =	simm.s32 @p1 $0x1  }
0x15: {  	[smem:$0x3FAF] =	sst s0;
	s0 =	simm.s32 @!p2 $0x0  }
0x16: {  	s3 =	sld [smem:$0x3FDB];
	s0 =	simm.s32 @p2 $0x1  }
0x17: {  	s4 =	simm.s32 $0x1BF5;
	[smem:$0x3FB1] =	sst s0  }
0x18: {  	s0 =	sld [smem:$0x3F94];
	_ =	swait.ge [sflag:s4], $0x0  }
0x19: {  	s7 =	sld [smem:$0x3F95]  }
0x1a: {  	s8 =	sadd.s32 $0xFFFFE003, lr  }
0x1b: {  	s9 =	sadd.s32 $0xFFFFFEF7, lr;
	s5 =	simm.s32 $0xFFFFFFFF;
	p2 =	slt.u32 s8, $0xFFFFF086  }
0x1c: {  	p1 =	slt.u32 s9, $0xF7A;
	s5 =	simm.s32 @!p2 $0x0  }
0x1d: {  	s5 =	simm.s32 @p1 $0x1;
	p0 =	seq.s32 s7, s2  }
0x1e: {  	s7 =	smul.u32 @!p0 $0xF7A, s2;
	p2 =	seq.s32 @!p0 s5, $0x0  }
0x1f: {  	s9 =	smul.u32 $0xF7A, s1;
	s8 =	simm.s32 @!p0 $0x1BF5;
	p2 =	por !p2, p0  }
0x20: {  	[sflag:s8] =	ssyncset.s32 @!p0 $0xFFFFF086;
	s6 =	sadd.s32 @!p0 s3, s7;
	s7 =	simm.s32 @!p0 $0x108  }
0x21: {  	s3 =	sadd.s32 s3, s9;
	s6 =	sadd.s32 @!p0 $0x88, s6;
	s7 =	simm.s32 @p2 $0x1082  }
0x22: {  	[simem:s7], [sflag:s8] =	dma.local @!p0 [hbm:s6], $0xF7A  }
0x23: {  	s9 =	sor.u32 $0xD0000000, s2;
	s6 =	simm.s32 $0x108;
	_ =	swait.ge @!p0 [sflag:s8], $0x0  }
0x24: {  	s3 =	sadd.s32 $0x88, s3;
	s6 =	simm.s32 @!p1 $0x1082;
	[sflag:s4] =	ssyncset.s32 $0xFFFFF086  }
0x25: {  	[simem:s6], [sflag:s4] =	dma.local [hbm:s3], $0xF7A  }
0x26: {  	[smem:$0x3F95] =	sst s1;
	(tag) =	ssettag s2;
	_ =	strace s9  }
0x27: {  	s1 =	sld [smem:$0x3FA5]  }
0x28: {  	s2 =	sld [smem:$0x3FA6]  }
0x29: {  	s4 =	sld [smem:$0x3FA8]  }
0x2a: {  	p0 =	seq.s32 s5, $0x0;
	s5 =	sld [smem:$0x3FA9]  }
0x2b: {  	s6 =	sld [smem:$0x3FAA]  }
0x2c: {  	s7 =	sld [smem:$0x3FAB]  }
0x2d: {  	s3 =	simm.s32 $0x108;
	s8 =	sld [smem:$0x3FAC]  }
0x2e: {  	s3 =	simm.s32 @!p0 $0x1082;
	s9 =	sld [smem:$0x3FAD]  }
0x2f: {  	lr =	sadd.s32 s0, s3;
	s0 =	sld [smem:$0x3FA4]  }
0x30: {  	s3 =	sld [smem:$0x3FA7]  }
0x31: {  	[smem:$0x3FB0] =	sst s10  }
0x32: {  	s10 =	sld [smem:$0x3FAE];
	_ =	sdelay $0x3  }
0x33: {  	p0 =	seq.s32 s10, $0x1;
	s10 =	sld [smem:$0x3FB0];
	_ =	sdelay $0x3  }
0x34: {  	[smem:$0x3FB0] =	sst s10  }
0x35: {  	s10 =	sld [smem:$0x3FAF];
	_ =	sdelay $0x3  }
0x36: {  	p1 =	seq.s32 s10, $0x1;
	s10 =	sld [smem:$0x3FB0];
	_ =	sdelay $0x3  }
0x37: {  	[smem:$0x3FB0] =	sst s10  }
0x38: {  	s10 =	sld [smem:$0x3FB1]  }
0x39: {  	_ = 	snop;
	(pc) =	sbr.ind lr, $3  }
0x3a: {  	_ = 	snop  }
0x3b: {  	_ = 	snop  }
0x3c: {  	p2 =	seq.s32 s10, $0x1;
	s10 =	sld [smem:$0x3FB0]  }
0x3d: {  	_ =	shalt  }
0x3e: {  	_ =	shalt  }
0x3f: {  	_ =	shalt  }
0x40: {  	_ =	shalt  }
0x41: {  	_ =	shalt  }
0x42: {  	_ =	shalt  }
0x43: {  	_ =	shalt  }
0x44: {  	_ =	shalt  }
0x45: {  	_ =	shalt  }
0x46: {  	_ =	shalt  }
0x47: {  	_ =	shalt  }
0x48: {  	_ =	shalt  }
0x49: {  	_ =	shalt  }
0x4a: {  	_ =	shalt  }
0x4b: {  	_ =	shalt  }
0x4c: {  	_ =	shalt  }
0x4d: {  	_ =	shalt  }
0x4e: {  	_ =	shalt  }
0x4f: {  	_ =	shalt  }
0x50: {  	_ =	shalt  }
0x51: {  	_ =	shalt  }
0x52: {  	_ =	shalt  }
0x53: {  	_ =	shalt  }
0x54: {  	_ =	shalt  }
0x55: {  	_ =	shalt  }
0x56: {  	_ =	shalt  }
0x57: {  	_ =	shalt  }
0x58: {  	_ =	shalt  }
0x59: {  	_ =	shalt  }
0x5a: {  	_ =	shalt  }
0x5b: {  	_ =	shalt  }
0x5c: {  	_ =	shalt  }
0x5d: {  	_ =	shalt  }
0x5e: {  	_ =	shalt  }
0x5f: {  	_ =	shalt  }
0x60: {  	_ =	shalt  }
0x61: {  	_ =	shalt  }
0x62: {  	_ =	shalt  }
0x63: {  	_ =	shalt  }
0x64: {  	_ =	shalt  }
0x65: {  	_ =	shalt  }
0x66: {  	_ =	shalt  }
0x67: {  	_ =	shalt  }
0x68: {  	_ =	shalt  }
0x69: {  	_ =	shalt  }
0x6a: {  	_ =	shalt  }
0x6b: {  	_ =	shalt  }
0x6c: {  	_ =	shalt  }
0x6d: {  	_ =	shalt  }
0x6e: {  	_ =	shalt  }
0x6f: {  	_ =	shalt  }
0x70: {  	_ =	shalt  }
0x71: {  	_ =	shalt  }
0x72: {  	_ =	shalt  }
0x73: {  	_ =	shalt  }
0x74: {  	_ =	shalt  }
0x75: {  	_ =	shalt  }
0x76: {  	_ =	shalt  }
0x77: {  	_ =	shalt  }
0x78: {  	_ =	shalt  }
0x79: {  	_ =	shalt  }
0x7a: {  	_ =	shalt  }
0x7b: {  	_ =	shalt  }
0x7c: {  	_ =	shalt  }
0x7d: {  	_ =	shalt  }
0x7e: {  	_ =	shalt  }
0x7f: {  	_ =	shalt  }
0x80: {  	_ =	shalt  }
0x81: {  	_ =	shalt  }
0x82: {  	_ =	shalt  }
0x83: {  	_ =	shalt  }
0x84: {  	_ =	shalt  }
0x85: {  	_ =	shalt  }
0x86: {  	_ =	shalt  }
0x87: {  	_ =	shalt  }
.Lfunc_end0:
.L_simem_size_0:
called_computation_lowered:
.L_overlay_start_0:
0x88: {  	s2 =	sld [smem:$0x3FD9]  }
0x89: {  	s3 =	sld [smem:$0x3FFE];
	_ =	sdelay $0x1  }
0x8a: {  	s1 =	srdreg.scid  }
0x8b: {  	s0 =	sand.u32 $0x1, s1  }
0x8c: {  	s17 =	sshll.u32 s0, $0xA;
	s2 =	sadd.s32 s3, s2  }
0x8d: {  	s2 =	sadd.s32 s2, s17  }
0x8e: {  	[smem:$0x3FBC] =	sst s2  }
0x8f: {  	_ = 	snop  }
0x90: {  	s2 =	sld [smem:$0x3FD0];
	(tm) =	ssettm $0x1  }
0x91: {  	s18 =	sld [smem:$0x3FFB];
	_ =	sdelay $0x3  }
0x92: {  	_ =	strace s18  }
0x93: {  	s3 =	sld [smem:$0x3FFC];
	_ =	sdelay $0x3  }
0x94: {  	_ =	strace s3  }
0x95: {  	s3 =	sld [smem:$0x3FFD];
	_ =	sdelay $0x3  }
0x96: {  	_ =	strace s3  }
0x97: {  	_ =	strace $0x8FFFFFFF  }
0x98: {  	s19 =	sld [smem:$0x3FDB];
	_ =	sdelay $0x1  }
0x99: {  	s4 =	simm.s32 $_scs_section_size  }
0x9a: {  	s5 =	simm.s32 $_size__tile_overlayer_lowered;
	s6 =	simm.s32 $_tile_overlayer_lowered  }
0x9b: {  	s22 =	simm.s32 $0x1BFF;
	s21 =	sshll.u32 s6, $0x1;
	s3 =	sadd.s32 s4, s19  }
0x9c: {  	s7 =	simm.s32 $0x0;
	s20 =	sshll.u32 s5, $0x1;
	s5 =	sadd.s32 s21, s3  }
0x9d: {  	[timem:s7], [sflag:s22] =	dma.local [hbm:s5], s20  }
0x9e: {  	_ =	swait.ge [sflag:s22], s20  }
0x9f: {  	s4 =	ssub.s32 $0x0, s20;
	[sflag:s22] =	ssyncset.done $0x0  }
0xa0: {  	[sflag:s22] =	ssyncadd.s32 s4;
	_ =	sdelay $0x1  }
0xa1: {  	s23 =	simm.s32 $0x1B8B  }
0xa2: {  	_ =	swait.ge [sflag:s23], $0x1  }
0xa3: {  	[sflag:s23] =	ssyncset.done $0x0  }
0xa4: {  	s25 =	simm.s32 $0x1B8E;
	s24 =	sld [smem:$0x3FFE];
	[sflag:s23] =	ssyncadd.s32 $0xFFFFFFFF  }
0xa5: {  	s26 =	simm.s32 $execute0_lowered;
	[smem:$0x3FD2] =	sst s25  }
0xa6: {  	s5 =	sshll.u32 s26, $0x1;
	_ =	strace $0x80000046;
	[dreg:$0x1] =	wrdreg $0xFFFFFFFF  }
0xa7: {  	s28 =	simm.s32 $_size_execute0_lowered;
	s3 =	sadd.s32 s3, s5;
	[dreg:$0x0] =	wrdreg $0x0  }
0xa8: {  	s5 =	sshll.u32 s28, $0x1;
	[dreg:$0x2] =	wrdreg s3  }
0xa9: {  	[dreg:$0x3] =	wrdreg s5  }
0xaa: {  	[dreg:$0x4] =	wrdreg $0xC0  }
0xab: {  	_ =	task [dreg:s7], $0x5FFFF  }
0xac: {  	[dreg:$0x1] =	wrdreg $0xFFFFFFFF  }
0xad: {  	[dreg:$0x0] =	wrdreg $0x60  }
0xae: {  	[dreg:$0x2] =	wrdreg s2  }
0xaf: {  	[dreg:$0x3] =	wrdreg s24  }
0xb0: {  	[dreg:$0x4] =	wrdreg $0x9  }
0xb1: {  	_ =	task.clear_ibuf [dreg:s7], $0x5FFFF;
	_ =	strace $0x90000046  }
0xb2: {  	s29 =	simm.s32 $0x9;
	_ =	strace $0x80000048  }
0xb3: {  	_ =	swait.ge [sflag:s29], $0x1  }
0xb4: {  	[sflag:s29] =	ssyncadd.s32 $0xFFFFFFFF  }
0xb5: {  	_ =	strace $0x90000048  }
0xb6: {  	_ =	sfence  }
0xb7: {  	s30 =	sld [smem:$0x0];
	_ =	sdelay $0x2  }
0xb8: {  	s31 =	sshll.u32 s1, $0xD;
	s1 =	sshrl.u32 s1, $0x2  }
0xb9: {  	s3 =	sand.u32 $0x4000, s31;
	s1 =	sadd.s32 s1, s30  }
0xba: {  	s0 =	sor.u32 s3, s0;
	s1 =	sshll.u32 s1, $0x11  }
0xbb: {  	s0 =	sor.u32 s1, s0  }
0xbc: {  	s0 =	sadd.s32 $0x8F2B, s0  }
0xbd: {  	[sflag:s0] =	ssyncadd.remote.s32 $0x1  }
0xbe: {  	_ =	sfence.sel $0xFFFF  }
0xbf: {  	[dreg:$0x0] =	wrdreg $0xFFFFFFFF;
	(pc) =	sbr.abs _section_cstart, $3  }
0xc0: {  	[dreg:$0x1] =	wrdreg $0xFFFFFFFF  }
0xc1: {  	_ =	task.clear_ibuf [dreg:s7], $0x2FFFF;
	_ =	strace $0x9FFFFFFF  }
0xc2: {  	(tm) =	ssettm $0x7FFFFFFF  }
0xc3: {  	_ =	shalt  }
tec
execute0_lowered:
.L_overlay_start_1:
0x0: {  	(tag) =	ssettag $0x1  }
0x1: {  	s1 =	rddreg [dreg:$0x0]  }
0x2: {  	s4 =	rddreg [dreg:$0x1]  }
0x3: {  	s0 =	rddreg [dreg:$0x2];
	s5 =	srdreg.scid  }
0x4: {  	s3 =	simm.s32 $0x0;
	s2 =	stileid.u32;
	s10 =	simm.s32 $0x1  }
0x5: {  	s11 =	simm.s32 $0x0;
	s5 =	sand.u32 $0x1, s5;
	[smem:$0x7FF] =	sst s3  }
0x6: {  	s6 =	sshll.u32 s2, $0xC;
	s8 =	sshll.u32 s2, $0x12;
	s7 =	sshll.u32 s5, $0xB  }
0x7: {  	_ =	strace $0x80000047;
	s29 =	ssub.s32 $0x2, s5;
	s8 =	sadd.s32 s8, s4  }
0x8: {  	s30 =	sshll.u32 s5, $0x11;
	s6 =	sor.u32 s7, s6;
	s9 =	sshrl.u32 s29, $0x1  }
0x9: {  	s31 =	sadd.s32 s30, s8;
	s8 =	simm.s32 $0x80;
	s6 =	sadd.s32 s6, s4  }
0xa: {  	s7 =	ssub.s32 s29, s9;
	s9 =	simm.s32 $0x4000;
	s4 =	sadd.s32 $0x2A00, s6  }
0xb: {  	s5 =	smax.u32 s7, $0x1;
	s6 =	sadd.s32 $0x82A00, s31;
	s7 =	simm.s32 $0x2  }
.LBB2_1:
0xc: {  	[tilespmem:s3], [sflag:$0x2] =	stream.linear.gather [hbm4b:s4+s3], $0x4000, $0x38;
	[tilespmem:$0x6000] =	vst v63  }
0xd: {  	_ =	swait.ge [sflag:s7], $0x4000  }
0xe: {  	[sflag:s7] =	ssyncset.done $0x0  }
0xf: {  	s12 =	simm.s32 $0x0;
	[sflag:s7] =	ssyncadd.s32 $0xFFFFC000  }
0x10: {  	[tilespmem:s9], [sflag:$0x1] =	stream.indirect.gather [hbm4b:s1+s8], $0x40, s12, s8, $0xb8;
	[tilespmem:$0x6000] =	vst v63  }
0x11: {  	_ =	swait.ge [sflag:s10], $0x2000  }
0x12: {  	[sflag:s10] =	ssyncset.done $0x0  }
0x13: {  	[sflag:s10] =	ssyncadd.s32 $0xFFFFE000  }
0x14: {  	[hbm4b:s6+s3] =	stream.linear.scatter [tilespmem:s9], [sflag:$0x2], $0x2000, $0x38;
	[tilespmem:$0x6000] =	vst v63  }
0x15: {  	s13 =	simm.s32 $0x200;
	_ =	swait.ge [sflag:s7], $0x2000  }
0x16: {  	s14 =	simm.s32 $0x400;
	s12 =	sadd.s32 $0x400, s6;
	[sflag:s7] =	ssyncset.done $0x0  }
.LBB2_2:
0x17: {  	s15 =	sshra.s32 s13, $0x2  }
0x18: {  	[sflag:s7] =	ssyncadd.s32 $0xFFFFE000;
	s13 =	smov.u32 s14;
	s16 =	sadd.s32 $0x200, s14  }
0x19: {  	[tilespmem:s9], [sflag:$0x1] =	stream.indirect.gather [hbm4b:s1+s8], $0x40, s15, s8, $0xb8;
	[tilespmem:$0x6000] =	vst v63  }
0x1a: {  	p0 =	sne.s32 s14, $0xFE00;
	_ =	swait.ge [sflag:s10], $0x2000  }
.Ltmp0:
0x1b: {  	[sflag:s10] =	ssyncset.done $0x0;
	(pc) =	sbr.rel @p0 .LBB2_2-.Ltmp0, $4  }
0x1c: {  	[sflag:s10] =	ssyncadd.s32 $0xFFFFE000  }
0x1d: {  	[hbm4b:s12+s3] =	stream.linear.scatter [tilespmem:s9], [sflag:$0x2], $0x2000, $0x38;
	[tilespmem:$0x6000] =	vst v63  }
0x1e: {  	_ =	swait.ge [sflag:s7], $0x2000  }
0x1f: {  	s14 =	smov.u32 s16;
	s12 =	sadd.s32 $0x400, s12;
	[sflag:s7] =	ssyncset.done $0x0  }
0x20: {  	s13 =	sshra.s32 s13, $0x2;
	[sflag:s7] =	ssyncadd.s32 $0xFFFFE000  }
0x21: {  	[tilespmem:s9], [sflag:$0x1] =	stream.indirect.gather [hbm4b:s1+s8], $0x40, s13, s8, $0xb8;
	[tilespmem:$0x6000] =	vst v63  }
0x22: {  	s11 =	sadd.s32 $0x1, s11;
	_ =	swait.ge [sflag:s10], $0x2000  }
0x23: {  	p0 =	sne.s32 s11, s5;
	[sflag:s10] =	ssyncset.done $0x0  }
.Ltmp1:
0x24: {  	[sflag:s10] =	ssyncadd.s32 $0xFFFFE000;
	(pc) =	sbr.rel @p0 .LBB2_1-.Ltmp1, $4  }
0x25: {  	[hbm4b:s12+s3] =	stream.linear.scatter [tilespmem:s9], [sflag:$0x2], $0x2000, $0x38;
	[tilespmem:$0x6000] =	vst v63  }
0x26: {  	_ =	swait.ge [sflag:s7], $0x2000  }
0x27: {  	[sflag:s7] =	ssyncset.done $0x0  }
0x28: {  	[sflag:s7] =	ssyncadd.s32 $0xFFFFE000  }
0x29: {  	_ =	sfence.sel $0x180000  }
0x2a: {  	[bflag:$0x0] =	sbarrier.arrive $0xFFFF  }
0x2b: {  	p0 =	sne.s32 s2, $0x0;
	_ =	strace $0x90000047  }
0x2c: {  	s0 =	sadd.s32 @!p0 $0x100000, s0;
	[bflag:$0x2] =	sbarrier.arrive $0xFFFF  }
0x2d: {  	[sflag:s0] =	ssyncadd.tile.s32 @!p0 $0x1;
	_ =	shalt  }
.Lfunc_end2:
_tile_overlayer_lowered:
.L_overlay_start_2:
0x2e: {  	(tag) =	ssettag $0x2  }
0x2f: {  	s0 =	rddreg [dreg:$0x0];
	s2 =	stileid.u32  }
0x30: {  	s1 =	rddreg [dreg:$0x1];
	p0 =	sne.s32 s2, $0x0  }
0x31: {  	s3 =	rddreg [dreg:$0x2];
	[bflag:$0x3] =	sbarrier.arrive $0xFFFF;
	s2 =	simm.s32 @!p0 $0x1C02  }
0x32: {  	[timem:s3], [sflag:s2] =	dma.local @!p0 [hbm:s0], s1  }
0x33: {  	s0 =	simm.s32 @!p0 $0x2  }
0x34: {  	_ =	swait.ge @!p0 [sflag:s0], s1  }
0x35: {  	s1 =	ssub.s32 @!p0 $0x0, s1;
	[sflag:s0] =	ssyncset.done @!p0 $0x0  }
0x36: {  	[sflag:s0] =	ssyncadd.s32 @!p0 s1  }
0x37: {  	[bflag:$0x3] =	sbarrier.arrive $0xFFFF  }
0x38: {  	_ =	shalt  }

</sc_bundles>
